<compile_context>
chip_gen: v7x
topology: tpu7x:2x2x1
jax: 0.10.2.dev20260603
libtpu: 0.0.44.dev20260713+nightly
codegen_flags: <defaults>
</compile_context>

<pallas_src>
import jax
import jax.numpy as jnp
import numpy as np
from jax import lax
from jax.experimental import pallas as pl
from jax.experimental.pallas import tpu as pltpu
from jax.experimental.pallas import tpu_sc as plsc

ENTITIES = 100000
RELATIONS = 100000
DIM = 64
B = 4096
L = 200
MAX_INPUTS_LENGTH = 200

NC = 2
NS = 16
NW = NC * NS
LANES = 16

FLAT = B * L
PER_W = FLAT // NW
CHUNK = 400
NCHUNK = PER_W // CHUNK

ROWD = L * DIM


def _fourier_pe(max_len, dim):
    input_positions = np.arange(max_len).reshape((-1, 1))
    embedding_positions = np.arange(dim).reshape((1, -1))
    relative = 2.0 * (embedding_positions // 2) / dim
    angles = input_positions / np.power(10000, relative)
    pe = np.zeros(angles.shape)
    pe[:, 0::2] = np.sin(angles[:, 0::2])
    pe[:, 1::2] = np.cos(angles[:, 1::2])
    return pe.astype(np.float32)


_PE_COL = _fourier_pe(MAX_INPUTS_LENGTH, DIM).reshape(ROWD, 1)


def _sc_body(merged_hbm, ids_hbm, types_hbm, out_hbm,
             idx_v, types_v, rows0, rows1, sg0, sg1, so0, so1):
    wid = lax.axis_index("s") * NC + lax.axis_index("c")
    base_w = wid * PER_W
    rows = (rows0, rows1)
    sg = (sg0, sg1)
    so = (so0, so1)

    pltpu.sync_copy(ids_hbm.at[pl.ds(base_w, PER_W)], idx_v)
    pltpu.sync_copy(types_hbm.at[pl.ds(base_w, PER_W)], types_v)

    def idx_body(i, c):
        s = pl.ds(i * LANES, LANES)
        idx_v[s] = idx_v[s] + types_v[s] * ENTITIES
        return c
    lax.fori_loop(0, PER_W // LANES, idx_body, 0, unroll=4)

    def gather_start(g, b):
        pltpu.async_copy(
            merged_hbm.at[idx_v.at[pl.ds(g * CHUNK, CHUNK)]], rows[b], sg[b])

    def gather_wait(g, b):
        pltpu.make_async_copy(
            merged_hbm.at[idx_v.at[pl.ds(g * CHUNK, CHUNK)]], rows[b], sg[b]
        ).wait()

    def write_start(g, b):
        pltpu.async_copy(
            rows[b], out_hbm.at[pl.ds(base_w + g * CHUNK, CHUNK)], so[b])

    def write_wait(g, b):
        pltpu.make_async_copy(
            rows[b], out_hbm.at[pl.ds(base_w + g * CHUNK, CHUNK)], so[b]
        ).wait()

    gather_start(0, 0)

    def outer(g2, c):
        for bi in range(2):
            g = g2 * 2 + bi
            gather_wait(g, bi)
            @pl.when(g >= 1)
            def _():
                write_wait(g - 1, 1 - bi)

            @pl.when(g + 1 < NCHUNK)
            def _():
                gather_start(g + 1, 1 - bi)

            write_start(g, bi)
        return c

    lax.fori_loop(0, NCHUNK // 2, outer, 0)
    write_wait(NCHUNK - 1, 1)


TBB = 128
MRB = 2000


def _pack_tables_body(e_ref, r_ref, m_ref):
    i = pl.program_id(0)

    def pack(x):
        y = x.reshape(MRB, 2, DIM)
        return jnp.concatenate([y[:, 0, :], y[:, 1, :]], axis=-1)

    @pl.when(i < (ENTITIES // 2) // MRB)
    def _():
        m_ref[...] = pack(e_ref[...])

    @pl.when(i >= (ENTITIES // 2) // MRB)
    def _():
        m_ref[...] = pack(r_ref[...])


def _tc_body(in_ref, pe_ref, out_ref):
    x = in_ref[...]
    y = x.reshape(TBB, L // 2, 128)
    eye = jax.lax.broadcasted_iota(jnp.int32, (TBB, TBB), 0) == \
        jax.lax.broadcasted_iota(jnp.int32, (TBB, TBB), 1)
    z = jax.lax.dot_general(
        y, eye.astype(jnp.float32),
        dimension_numbers=(((0,), (0,)), ((), ())),
        preferred_element_type=jnp.float32)
    out_ref[...] = z.reshape(ROWD, TBB) + pe_ref[...]


def kernel(object_ids, object_types, entity_embeddings, relation_embeddings):
    pe_col = jnp.asarray(_PE_COL)

    nhalf = (ENTITIES // 2) // MRB
    m2 = pl.pallas_call(
        _pack_tables_body,
        grid=(2 * nhalf,),
        in_specs=[
            pl.BlockSpec((2 * MRB, DIM),
                         lambda i: (jnp.minimum(i, nhalf - 1), 0)),
            pl.BlockSpec((2 * MRB, DIM),
                         lambda i: (jnp.maximum(i - nhalf, 0), 0)),
        ],
        out_specs=pl.BlockSpec((MRB, 2 * DIM), lambda i: (i, 0)),
        out_shape=jax.ShapeDtypeStruct(
            ((ENTITIES + RELATIONS) // 2, 2 * DIM), jnp.float32),
    )(entity_embeddings.astype(jnp.float32),
      relation_embeddings.astype(jnp.float32))
    merged = m2.reshape(ENTITIES + RELATIONS, DIM)

    ids = object_ids.reshape(-1).astype(jnp.int32)
    types = object_types.reshape(-1).astype(jnp.int32)

    mesh = plsc.VectorSubcoreMesh(core_axis_name="c", subcore_axis_name="s")
    run_sc = pl.kernel(
        _sc_body,
        out_type=jax.ShapeDtypeStruct((FLAT, DIM), jnp.float32),
        mesh=mesh,
        scratch_types=[
            pltpu.VMEM((PER_W,), jnp.int32),
            pltpu.VMEM((PER_W,), jnp.int32),
            pltpu.VMEM((CHUNK, DIM), jnp.float32),
            pltpu.VMEM((CHUNK, DIM), jnp.float32),
            pltpu.SemaphoreType.DMA,
            pltpu.SemaphoreType.DMA,
            pltpu.SemaphoreType.DMA,
            pltpu.SemaphoreType.DMA,
        ],
        compiler_params=pltpu.CompilerParams(use_tc_tiling_on_sc=False),
    )
    gathered = run_sc(merged, ids, types)

    in2 = gathered.reshape(FLAT // 2, 128)
    out2 = pl.pallas_call(
        _tc_body,
        grid=(B // TBB,),
        in_specs=[
            pl.BlockSpec((TBB * L // 2, 128), lambda i: (i, 0)),
            pl.BlockSpec((ROWD, 1), lambda i: (0, 0)),
        ],
        out_specs=pl.BlockSpec((ROWD, TBB), lambda i: (0, i)),
        out_shape=jax.ShapeDtypeStruct((ROWD, B), jnp.float32),
    )(in2, pe_col)

    return out2.reshape(L, DIM, B).transpose(2, 0, 1)

# --- scband reference (transcript-rebuilt; emitter-appended) ---
"""Pipeline reference for scband-embeddings-extraction-layer-31705448579736 (READ-ONLY COPY).

The authoritative reference and input builder live on the scoring server;
editing this copy changes nothing except your own understanding.
"""

import jax, jax.numpy as jnp
import numpy as np

ENTITIES = 100000
RELATIONS = 100000
DIM = 64
B = 4096
L = 200
MAX_INPUTS_LENGTH = 200


def _fourier_position_embeddings(max_len, dim):
    input_positions = np.arange(max_len).reshape((-1, 1))
    embedding_positions = np.arange(dim).reshape((1, -1))
    relative = 2.0 * (embedding_positions // 2) / dim
    angles = input_positions / np.power(10000, relative)
    pe = np.zeros(angles.shape)
    pe[:, 0::2] = np.sin(angles[:, 0::2])
    pe[:, 1::2] = np.cos(angles[:, 1::2])
    return jnp.asarray(pe, dtype=jnp.float32)


def setup_inputs(seed: int = 0) -> dict:
    key = jax.random.key(seed)
    k1, k2, k3, k4 = jax.random.split(key, 4)
    object_ids = jax.random.randint(k1, (B, L), 0, ENTITIES)
    # types in {0 (ENTITY), 1 (RELATION)}; special tokens disabled
    object_types = jax.random.randint(k2, (B, L), 0, 2)
    entity_embeddings = jax.random.normal(k3, (ENTITIES, DIM), dtype=jnp.float32) * 0.02
    relation_embeddings = jax.random.normal(k4, (RELATIONS, DIM), dtype=jnp.float32) * 0.02
    return {
        "object_ids": object_ids,
        "object_types": object_types,
        "entity_embeddings": entity_embeddings,
        "relation_embeddings": relation_embeddings,
    }


def reference(object_ids, object_types, entity_embeddings, relation_embeddings):
    # merged table: [entities; relations; special(empty)]
    merged = jnp.concatenate([entity_embeddings, relation_embeddings], axis=0)
    relation_offset = entity_embeddings.shape[0]
    special_offset = relation_offset + relation_embeddings.shape[0]
    relation_types = (object_types == 1).astype(object_ids.dtype)
    special_types = (object_types == 2).astype(object_ids.dtype)
    offsets = relation_offset * relation_types + special_offset * special_types
    padded_ids = object_ids + offsets
    embeddings = jnp.take(merged, padded_ids, axis=0)
    # position embeddings: fourier (constant, non-trainable), sliced to seq len
    pe = _fourier_position_embeddings(MAX_INPUTS_LENGTH, embeddings.shape[-1])
    chosen = pe[: embeddings.shape[-2], :]
    return embeddings + jnp.broadcast_to(chosen, embeddings.shape)

if __name__ == "__main__":
    import jax
    _d = setup_inputs()
    print(jax.jit(kernel)(*tuple(_d.values())))

</pallas_src>

<mosaic_0001>
#map = affine_map<(d0, d1) -> (0, 0)>
#map1 = affine_map<(d0, d1) -> (0)>
module attributes {stable_mosaic.version = 14 : i64} {
  func.func @_sc_body(%arg0: i32, %arg1: i32, %arg2: memref<200000x64xf32, #tpu.memory_space<hbm>>, %arg3: memref<819200xi32, #tpu.memory_space<hbm>>, %arg4: memref<819200xi32, #tpu.memory_space<hbm>>, %arg5: memref<819200x64xf32, #tpu.memory_space<hbm>>, %arg6: memref<25600xi32, #tpu.memory_space<vmem>>, %arg7: memref<25600xi32, #tpu.memory_space<vmem>>, %arg8: memref<400x64xf32, #tpu.memory_space<vmem>>, %arg9: memref<400x64xf32, #tpu.memory_space<vmem>>, %arg10: memref<!tpu.dma_semaphore, #tpu.memory_space<semaphore_mem>>, %arg11: memref<!tpu.dma_semaphore, #tpu.memory_space<semaphore_mem>>, %arg12: memref<!tpu.dma_semaphore, #tpu.memory_space<semaphore_mem>>, %arg13: memref<!tpu.dma_semaphore, #tpu.memory_space<semaphore_mem>>) attributes {dimension_semantics = [#tpu.dimension_semantics<core_parallel>, #tpu.dimension_semantics<subcore_parallel>], iteration_bounds = array<i64: 2, 16>, scalar_prefetch = 0 : i64, scratch_operands = 8 : i64, tpu.core_type = #tpu.core_type<sc_vector_subcore>, window_params = [{transform_indices = #map}, {transform_indices = #map1}, {transform_indices = #map1}, {transform_indices = #map}]} {
    %mul3A = arith.constant 2 : i32
    %mul3A_0 = arith.muli %arg1, %mul3A : i32
    %add3A = arith.addi %mul3A_0, %arg0 : i32
    %mul3A_1 = arith.constant 25600 : i32
    %mul3A_2 = arith.muli %add3A, %mul3A_1 : i32
    "tpu.region"() ({
      %run_scoped3A = tpu.sem_alloc : memref<!tpu.dma_semaphore, #tpu.memory_space<semaphore_mem>>
      %dma_start3A_23 = tpu.memref_slice %arg3[%mul3A_2] : memref<819200xi32, #tpu.memory_space<hbm>> -> memref<25600xi32, #tpu.memory_space<hbm>>
      %dma_start3A_24 = tpu.memref_slice %arg3[%mul3A_2] : memref<819200xi32, #tpu.memory_space<hbm>> -> memref<25600xi32, #tpu.memory_space<hbm>>
      tpu.enqueue_dma source(%dma_start3A_24 : memref<25600xi32, #tpu.memory_space<hbm>>) target(%arg6 : memref<25600xi32, #tpu.memory_space<vmem>>) target_semaphore(%run_scoped3A : memref<!tpu.dma_semaphore, #tpu.memory_space<semaphore_mem>>)
      %dma_wait3A_25 = tpu.memref_slice %arg3[%mul3A_2] : memref<819200xi32, #tpu.memory_space<hbm>> -> memref<25600xi32, #tpu.memory_space<hbm>>
      %dma_wait3A_26 = tpu.memref_slice %arg3[%mul3A_2] : memref<819200xi32, #tpu.memory_space<hbm>> -> memref<25600xi32, #tpu.memory_space<hbm>>
      tpu.wait_dma2 semaphore(%run_scoped3A : memref<!tpu.dma_semaphore, #tpu.memory_space<semaphore_mem>>) src(%dma_wait3A_26 : memref<25600xi32, #tpu.memory_space<hbm>>) dst(%arg6 : memref<25600xi32, #tpu.memory_space<vmem>>)
      tpu.yield
    }) : () -> ()
    "tpu.region"() ({
      %run_scoped3A = tpu.sem_alloc : memref<!tpu.dma_semaphore, #tpu.memory_space<semaphore_mem>>
      %dma_start3A_23 = tpu.memref_slice %arg4[%mul3A_2] : memref<819200xi32, #tpu.memory_space<hbm>> -> memref<25600xi32, #tpu.memory_space<hbm>>
      %dma_start3A_24 = tpu.memref_slice %arg4[%mul3A_2] : memref<819200xi32, #tpu.memory_space<hbm>> -> memref<25600xi32, #tpu.memory_space<hbm>>
      tpu.enqueue_dma source(%dma_start3A_24 : memref<25600xi32, #tpu.memory_space<hbm>>) target(%arg7 : memref<25600xi32, #tpu.memory_space<vmem>>) target_semaphore(%run_scoped3A : memref<!tpu.dma_semaphore, #tpu.memory_space<semaphore_mem>>)
      %dma_wait3A_25 = tpu.memref_slice %arg4[%mul3A_2] : memref<819200xi32, #tpu.memory_space<hbm>> -> memref<25600xi32, #tpu.memory_space<hbm>>
      %dma_wait3A_26 = tpu.memref_slice %arg4[%mul3A_2] : memref<819200xi32, #tpu.memory_space<hbm>> -> memref<25600xi32, #tpu.memory_space<hbm>>
      tpu.wait_dma2 semaphore(%run_scoped3A : memref<!tpu.dma_semaphore, #tpu.memory_space<semaphore_mem>>) src(%dma_wait3A_26 : memref<25600xi32, #tpu.memory_space<hbm>>) dst(%arg7 : memref<25600xi32, #tpu.memory_space<vmem>>)
      tpu.yield
    }) : () -> ()
    %scan3A = arith.constant 0 : i32
    %scan3A_3 = arith.constant 0 : i32
    %scan3A_4 = arith.constant 1600 : i32
    %scan3A_5 = arith.addi %scan3A_3, %scan3A_4 : i32
    %scan3A_6 = arith.constant 4 : i32
    scf.for %scan3A_23 = %scan3A_3 to %scan3A_5 step %scan3A_6  : i32 {
      %mul3A_24 = arith.constant 16 : i32
      %mul3A_25 = arith.muli %scan3A_23, %mul3A_24 : i32
      %get3A = arith.index_cast %mul3A_25 : i32 to index
      %get3A_26 = tpu.vector_load %arg6[%get3A] {strides = array<i32>} : memref<25600xi32, #tpu.memory_space<vmem>>, vector<16xi32>,
      %get3A_27 = vector.shape_cast %get3A_26 : vector<16xi32> to vector<16xi32>
      %get3A_28 = arith.index_cast %mul3A_25 : i32 to index
      %get3A_29 = tpu.vector_load %arg7[%get3A_28] {strides = array<i32>} : memref<25600xi32, #tpu.memory_space<vmem>>, vector<16xi32>,
      %get3A_30 = vector.shape_cast %get3A_29 : vector<16xi32> to vector<16xi32>
      %mul3A_31 = arith.constant 100000 : i32
      %mul3A_32 = vector.broadcast %mul3A_31 : i32 to vector<16xi32>
      %mul3A_33 = arith.muli %get3A_30, %mul3A_32 : vector<16xi32>
      %add3A_34 = arith.addi %get3A_27, %mul3A_33 : vector<16xi32>
      %swap3A = arith.index_cast %mul3A_25 : i32 to index
      %swap3A_35 = tpu.vector_load %arg6[%swap3A] {strides = array<i32>} : memref<25600xi32, #tpu.memory_space<vmem>>, vector<16xi32>,
      %swap3A_36 = vector.shape_cast %swap3A_35 : vector<16xi32> to vector<16xi32>
      %swap3A_37 = vector.shape_cast %add3A_34 : vector<16xi32> to vector<16xi32>
      tpu.vector_store %arg6[%swap3A], %swap3A_37 {strides = array<i32>} : memref<25600xi32, #tpu.memory_space<vmem>>, vector<16xi32>,
      %scan3A_38 = arith.constant 1 : i32
      %scan3A_39 = arith.addi %scan3A_23, %scan3A_38 : i32
      %mul3A_40 = arith.constant 16 : i32
      %mul3A_41 = arith.muli %scan3A_39, %mul3A_40 : i32
      %get3A_42 = arith.index_cast %mul3A_41 : i32 to index
      %get3A_43 = tpu.vector_load %arg6[%get3A_42] {strides = array<i32>} : memref<25600xi32, #tpu.memory_space<vmem>>, vector<16xi32>,
      %get3A_44 = vector.shape_cast %get3A_43 : vector<16xi32> to vector<16xi32>
      %get3A_45 = arith.index_cast %mul3A_41 : i32 to index
      %get3A_46 = tpu.vector_load %arg7[%get3A_45] {strides = array<i32>} : memref<25600xi32, #tpu.memory_space<vmem>>, vector<16xi32>,
      %get3A_47 = vector.shape_cast %get3A_46 : vector<16xi32> to vector<16xi32>
      %mul3A_48 = arith.constant 100000 : i32
      %mul3A_49 = vector.broadcast %mul3A_48 : i32 to vector<16xi32>
      %mul3A_50 = arith.muli %get3A_47, %mul3A_49 : vector<16xi32>
      %add3A_51 = arith.addi %get3A_44, %mul3A_50 : vector<16xi32>
      %swap3A_52 = arith.index_cast %mul3A_41 : i32 to index
      %swap3A_53 = tpu.vector_load %arg6[%swap3A_52] {strides = array<i32>} : memref<25600xi32, #tpu.memory_space<vmem>>, vector<16xi32>,
      %swap3A_54 = vector.shape_cast %swap3A_53 : vector<16xi32> to vector<16xi32>
      %swap3A_55 = vector.shape_cast %add3A_51 : vector<16xi32> to vector<16xi32>
      tpu.vector_store %arg6[%swap3A_52], %swap3A_55 {strides = array<i32>} : memref<25600xi32, #tpu.memory_space<vmem>>, vector<16xi32>,
      %scan3A_56 = arith.constant 2 : i32
      %scan3A_57 = arith.addi %scan3A_23, %scan3A_56 : i32
      %mul3A_58 = arith.constant 16 : i32
      %mul3A_59 = arith.muli %scan3A_57, %mul3A_58 : i32
      %get3A_60 = arith.index_cast %mul3A_59 : i32 to index
      %get3A_61 = tpu.vector_load %arg6[%get3A_60] {strides = array<i32>} : memref<25600xi32, #tpu.memory_space<vmem>>, vector<16xi32>,
      %get3A_62 = vector.shape_cast %get3A_61 : vector<16xi32> to vector<16xi32>
      %get3A_63 = arith.index_cast %mul3A_59 : i32 to index
      %get3A_64 = tpu.vector_load %arg7[%get3A_63] {strides = array<i32>} : memref<25600xi32, #tpu.memory_space<vmem>>, vector<16xi32>,
      %get3A_65 = vector.shape_cast %get3A_64 : vector<16xi32> to vector<16xi32>
      %mul3A_66 = arith.constant 100000 : i32
      %mul3A_67 = vector.broadcast %mul3A_66 : i32 to vector<16xi32>
      %mul3A_68 = arith.muli %get3A_65, %mul3A_67 : vector<16xi32>
      %add3A_69 = arith.addi %get3A_62, %mul3A_68 : vector<16xi32>
      %swap3A_70 = arith.index_cast %mul3A_59 : i32 to index
      %swap3A_71 = tpu.vector_load %arg6[%swap3A_70] {strides = array<i32>} : memref<25600xi32, #tpu.memory_space<vmem>>, vector<16xi32>,
      %swap3A_72 = vector.shape_cast %swap3A_71 : vector<16xi32> to vector<16xi32>
      %swap3A_73 = vector.shape_cast %add3A_69 : vector<16xi32> to vector<16xi32>
      tpu.vector_store %arg6[%swap3A_70], %swap3A_73 {strides = array<i32>} : memref<25600xi32, #tpu.memory_space<vmem>>, vector<16xi32>,
      %scan3A_74 = arith.constant 3 : i32
      %scan3A_75 = arith.addi %scan3A_23, %scan3A_74 : i32
      %mul3A_76 = arith.constant 16 : i32
      %mul3A_77 = arith.muli %scan3A_75, %mul3A_76 : i32
      %get3A_78 = arith.index_cast %mul3A_77 : i32 to index
      %get3A_79 = tpu.vector_load %arg6[%get3A_78] {strides = array<i32>} : memref<25600xi32, #tpu.memory_space<vmem>>, vector<16xi32>,
      %get3A_80 = vector.shape_cast %get3A_79 : vector<16xi32> to vector<16xi32>
      %get3A_81 = arith.index_cast %mul3A_77 : i32 to index
      %get3A_82 = tpu.vector_load %arg7[%get3A_81] {strides = array<i32>} : memref<25600xi32, #tpu.memory_space<vmem>>, vector<16xi32>,
      %get3A_83 = vector.shape_cast %get3A_82 : vector<16xi32> to vector<16xi32>
      %mul3A_84 = arith.constant 100000 : i32
      %mul3A_85 = vector.broadcast %mul3A_84 : i32 to vector<16xi32>
      %mul3A_86 = arith.muli %get3A_83, %mul3A_85 : vector<16xi32>
      %add3A_87 = arith.addi %get3A_80, %mul3A_86 : vector<16xi32>
      %swap3A_88 = arith.index_cast %mul3A_77 : i32 to index
      %swap3A_89 = tpu.vector_load %arg6[%swap3A_88] {strides = array<i32>} : memref<25600xi32, #tpu.memory_space<vmem>>, vector<16xi32>,
      %swap3A_90 = vector.shape_cast %swap3A_89 : vector<16xi32> to vector<16xi32>
      %swap3A_91 = vector.shape_cast %add3A_87 : vector<16xi32> to vector<16xi32>
      tpu.vector_store %arg6[%swap3A_88], %swap3A_91 {strides = array<i32>} : memref<25600xi32, #tpu.memory_space<vmem>>, vector<16xi32>,
    }
    %scan3A_7 = arith.constant 1600 : i32
    %dma_start3A = arith.constant 0 : i32
    %dma_start3A_8 = tpu.memref_slice %arg6[%dma_start3A] : memref<25600xi32, #tpu.memory_space<vmem>> -> memref<400xi32, #tpu.memory_space<vmem>>
    %dma_start3A_9 = arith.constant 0 : i32
    %dma_start3A_10 = arith.constant 0 : i32
    %dma_start3A_11 = tpu.memref_slice %arg2[%dma_start3A_9, %dma_start3A_10] : memref<200000x64xf32, #tpu.memory_space<hbm>> -> memref<200000x64xf32, #tpu.memory_space<hbm>>
    tpu.enqueue_indirect_dma source(%dma_start3A_11 : memref<200000x64xf32, #tpu.memory_space<hbm>>) target(%arg8 : memref<400x64xf32, #tpu.memory_space<vmem>>) offsets(%dma_start3A_8 : memref<400xi32, #tpu.memory_space<vmem>>) semaphore(%arg10 : memref<!tpu.dma_semaphore, #tpu.memory_space<semaphore_mem>>)
    %scan3A_12 = arith.constant 0 : i32
    %scan3A_13 = arith.constant 0 : i32
    %scan3A_14 = arith.constant 32 : i32
    %scan3A_15 = arith.addi %scan3A_13, %scan3A_14 : i32
    %scan3A_16 = arith.constant 1 : i32
    scf.for %scan3A_23 = %scan3A_13 to %scan3A_15 step %scan3A_16  : i32 {
      %mul3A_24 = arith.constant 2 : i32
      %mul3A_25 = arith.muli %scan3A_23, %mul3A_24 : i32
      %add3A_26 = arith.constant 0 : i32
      %add3A_27 = arith.addi %mul3A_25, %add3A_26 : i32
      %mul3A_28 = arith.constant 400 : i32
      %mul3A_29 = arith.muli %add3A_27, %mul3A_28 : i32
      %dma_wait3A_30 = tpu.memref_slice %arg6[%mul3A_29] : memref<25600xi32, #tpu.memory_space<vmem>> -> memref<400xi32, #tpu.memory_space<vmem>>
      %dma_wait3A_31 = arith.constant 0 : i32
      %dma_wait3A_32 = arith.constant 0 : i32
      %dma_wait3A_33 = tpu.memref_slice %arg2[%dma_wait3A_31, %dma_wait3A_32] : memref<200000x64xf32, #tpu.memory_space<hbm>> -> memref<200000x64xf32, #tpu.memory_space<hbm>>
      tpu.wait_indirect_dma semaphore(%arg10 : memref<!tpu.dma_semaphore, #tpu.memory_space<semaphore_mem>>) src(%dma_wait3A_33 : memref<200000x64xf32, #tpu.memory_space<hbm>>) dst(%arg8 : memref<400x64xf32, #tpu.memory_space<vmem>>)
      %ge3A = arith.constant 1 : i32
      %ge3A_34 = arith.cmpi sge, %add3A_27, %ge3A : i32
      %convert_element_type3A = arith.extui %ge3A_34 : i1 to i32
      %cond3A = arith.constant 0 : i32
      %cond3A_35 = arith.cmpi ne, %convert_element_type3A, %cond3A : i32
      scf.if %cond3A_35 {
        %sub3A = arith.constant 1 : i32
        %sub3A_78 = arith.subi %add3A_27, %sub3A : i32
        %mul3A_79 = arith.constant 400 : i32
        %mul3A_80 = arith.muli %sub3A_78, %mul3A_79 : i32
        %add3A_81 = arith.addi %mul3A_2, %mul3A_80 : i32
        %dma_wait3A_82 = arith.constant 0 : i32
        %dma_wait3A_83 = tpu.memref_slice %arg5[%add3A_81, %dma_wait3A_82] : memref<819200x64xf32, #tpu.memory_space<hbm>> -> memref<400x64xf32, #tpu.memory_space<hbm>>
        %dma_wait3A_84 = arith.constant 0 : i32
        %dma_wait3A_85 = tpu.memref_slice %arg5[%add3A_81, %dma_wait3A_84] : memref<819200x64xf32, #tpu.memory_space<hbm>> -> memref<400x64xf32, #tpu.memory_space<hbm>>
        tpu.wait_dma2 semaphore(%arg13 : memref<!tpu.dma_semaphore, #tpu.memory_space<semaphore_mem>>) src(%arg9 : memref<400x64xf32, #tpu.memory_space<vmem>>) dst(%dma_wait3A_85 : memref<400x64xf32, #tpu.memory_space<hbm>>)
      } else {
      }
      %add3A_36 = arith.constant 1 : i32
      %add3A_37 = arith.addi %add3A_27, %add3A_36 : i32
      %lt3A = arith.constant 64 : i32
      %lt3A_38 = arith.cmpi slt, %add3A_37, %lt3A : i32
      %convert_element_type3A_39 = arith.extui %lt3A_38 : i1 to i32
      %cond3A_40 = arith.constant 0 : i32
      %cond3A_41 = arith.cmpi ne, %convert_element_type3A_39, %cond3A_40 : i32
      scf.if %cond3A_41 {
        %add3A_78 = arith.constant 1 : i32
        %add3A_79 = arith.addi %add3A_27, %add3A_78 : i32
        %mul3A_80 = arith.constant 400 : i32
        %mul3A_81 = arith.muli %add3A_79, %mul3A_80 : i32
        %dma_start3A_82 = tpu.memref_slice %arg6[%mul3A_81] : memref<25600xi32, #tpu.memory_space<vmem>> -> memref<400xi32, #tpu.memory_space<vmem>>
        %dma_start3A_83 = arith.constant 0 : i32
        %dma_start3A_84 = arith.constant 0 : i32
        %dma_start3A_85 = tpu.memref_slice %arg2[%dma_start3A_83, %dma_start3A_84] : memref<200000x64xf32, #tpu.memory_space<hbm>> -> memref<200000x64xf32, #tpu.memory_space<hbm>>
        tpu.enqueue_indirect_dma source(%dma_start3A_85 : memref<200000x64xf32, #tpu.memory_space<hbm>>) target(%arg9 : memref<400x64xf32, #tpu.memory_space<vmem>>) offsets(%dma_start3A_82 : memref<400xi32, #tpu.memory_space<vmem>>) semaphore(%arg11 : memref<!tpu.dma_semaphore, #tpu.memory_space<semaphore_mem>>)
      } else {
      }
      %mul3A_42 = arith.constant 400 : i32
      %mul3A_43 = arith.muli %add3A_27, %mul3A_42 : i32
      %add3A_44 = arith.addi %mul3A_2, %mul3A_43 : i32
      %dma_start3A_45 = arith.constant 0 : i32
      %dma_start3A_46 = tpu.memref_slice %arg5[%add3A_44, %dma_start3A_45] : memref<819200x64xf32, #tpu.memory_space<hbm>> -> memref<400x64xf32, #tpu.memory_space<hbm>>
      %dma_start3A_47 = arith.constant 0 : i32
      %dma_start3A_48 = tpu.memref_slice %arg5[%add3A_44, %dma_start3A_47] : memref<819200x64xf32, #tpu.memory_space<hbm>> -> memref<400x64xf32, #tpu.memory_space<hbm>>
      tpu.enqueue_dma source(%arg8 : memref<400x64xf32, #tpu.memory_space<vmem>>) target(%dma_start3A_48 : memref<400x64xf32, #tpu.memory_space<hbm>>) target_semaphore(%arg12 : memref<!tpu.dma_semaphore, #tpu.memory_space<semaphore_mem>>)
      %mul3A_49 = arith.constant 2 : i32
      %mul3A_50 = arith.muli %scan3A_23, %mul3A_49 : i32
      %add3A_51 = arith.constant 1 : i32
      %add3A_52 = arith.addi %mul3A_50, %add3A_51 : i32
      %mul3A_53 = arith.constant 400 : i32
      %mul3A_54 = arith.muli %add3A_52, %mul3A_53 : i32
      %dma_wait3A_55 = tpu.memref_slice %arg6[%mul3A_54] : memref<25600xi32, #tpu.memory_space<vmem>> -> memref<400xi32, #tpu.memory_space<vmem>>
      %dma_wait3A_56 = arith.constant 0 : i32
      %dma_wait3A_57 = arith.constant 0 : i32
      %dma_wait3A_58 = tpu.memref_slice %arg2[%dma_wait3A_56, %dma_wait3A_57] : memref<200000x64xf32, #tpu.memory_space<hbm>> -> memref<200000x64xf32, #tpu.memory_space<hbm>>
      tpu.wait_indirect_dma semaphore(%arg11 : memref<!tpu.dma_semaphore, #tpu.memory_space<semaphore_mem>>) src(%dma_wait3A_58 : memref<200000x64xf32, #tpu.memory_space<hbm>>) dst(%arg9 : memref<400x64xf32, #tpu.memory_space<vmem>>)
      %ge3A_59 = arith.constant 1 : i32
      %ge3A_60 = arith.cmpi sge, %add3A_52, %ge3A_59 : i32
      %convert_element_type3A_61 = arith.extui %ge3A_60 : i1 to i32
      %cond3A_62 = arith.constant 0 : i32
      %cond3A_63 = arith.cmpi ne, %convert_element_type3A_61, %cond3A_62 : i32
      scf.if %cond3A_63 {
        %sub3A = arith.constant 1 : i32
        %sub3A_78 = arith.subi %add3A_52, %sub3A : i32
        %mul3A_79 = arith.constant 400 : i32
        %mul3A_80 = arith.muli %sub3A_78, %mul3A_79 : i32
        %add3A_81 = arith.addi %mul3A_2, %mul3A_80 : i32
        %dma_wait3A_82 = arith.constant 0 : i32
        %dma_wait3A_83 = tpu.memref_slice %arg5[%add3A_81, %dma_wait3A_82] : memref<819200x64xf32, #tpu.memory_space<hbm>> -> memref<400x64xf32, #tpu.memory_space<hbm>>
        %dma_wait3A_84 = arith.constant 0 : i32
        %dma_wait3A_85 = tpu.memref_slice %arg5[%add3A_81, %dma_wait3A_84] : memref<819200x64xf32, #tpu.memory_space<hbm>> -> memref<400x64xf32, #tpu.memory_space<hbm>>
        tpu.wait_dma2 semaphore(%arg12 : memref<!tpu.dma_semaphore, #tpu.memory_space<semaphore_mem>>) src(%arg8 : memref<400x64xf32, #tpu.memory_space<vmem>>) dst(%dma_wait3A_85 : memref<400x64xf32, #tpu.memory_space<hbm>>)
      } else {
      }
      %add3A_64 = arith.constant 1 : i32
      %add3A_65 = arith.addi %add3A_52, %add3A_64 : i32
      %lt3A_66 = arith.constant 64 : i32
      %lt3A_67 = arith.cmpi slt, %add3A_65, %lt3A_66 : i32
      %convert_element_type3A_68 = arith.extui %lt3A_67 : i1 to i32
      %cond3A_69 = arith.constant 0 : i32
      %cond3A_70 = arith.cmpi ne, %convert_element_type3A_68, %cond3A_69 : i32
      scf.if %cond3A_70 {
        %add3A_78 = arith.constant 1 : i32
        %add3A_79 = arith.addi %add3A_52, %add3A_78 : i32
        %mul3A_80 = arith.constant 400 : i32
        %mul3A_81 = arith.muli %add3A_79, %mul3A_80 : i32
        %dma_start3A_82 = tpu.memref_slice %arg6[%mul3A_81] : memref<25600xi32, #tpu.memory_space<vmem>> -> memref<400xi32, #tpu.memory_space<vmem>>
        %dma_start3A_83 = arith.constant 0 : i32
        %dma_start3A_84 = arith.constant 0 : i32
        %dma_start3A_85 = tpu.memref_slice %arg2[%dma_start3A_83, %dma_start3A_84] : memref<200000x64xf32, #tpu.memory_space<hbm>> -> memref<200000x64xf32, #tpu.memory_space<hbm>>
        tpu.enqueue_indirect_dma source(%dma_start3A_85 : memref<200000x64xf32, #tpu.memory_space<hbm>>) target(%arg8 : memref<400x64xf32, #tpu.memory_space<vmem>>) offsets(%dma_start3A_82 : memref<400xi32, #tpu.memory_space<vmem>>) semaphore(%arg10 : memref<!tpu.dma_semaphore, #tpu.memory_space<semaphore_mem>>)
      } else {
      }
      %mul3A_71 = arith.constant 400 : i32
      %mul3A_72 = arith.muli %add3A_52, %mul3A_71 : i32
      %add3A_73 = arith.addi %mul3A_2, %mul3A_72 : i32
      %dma_start3A_74 = arith.constant 0 : i32
      %dma_start3A_75 = tpu.memref_slice %arg5[%add3A_73, %dma_start3A_74] : memref<819200x64xf32, #tpu.memory_space<hbm>> -> memref<400x64xf32, #tpu.memory_space<hbm>>
      %dma_start3A_76 = arith.constant 0 : i32
      %dma_start3A_77 = tpu.memref_slice %arg5[%add3A_73, %dma_start3A_76] : memref<819200x64xf32, #tpu.memory_space<hbm>> -> memref<400x64xf32, #tpu.memory_space<hbm>>
      tpu.enqueue_dma source(%arg9 : memref<400x64xf32, #tpu.memory_space<vmem>>) target(%dma_start3A_77 : memref<400x64xf32, #tpu.memory_space<hbm>>) target_semaphore(%arg13 : memref<!tpu.dma_semaphore, #tpu.memory_space<semaphore_mem>>)
    }
    %scan3A_17 = arith.constant 32 : i32
    %add3A_18 = arith.constant 25200 : i32
    %add3A_19 = arith.addi %mul3A_2, %add3A_18 : i32
    %dma_wait3A = arith.constant 0 : i32
    %dma_wait3A_20 = tpu.memref_slice %arg5[%add3A_19, %dma_wait3A] : memref<819200x64xf32, #tpu.memory_space<hbm>> -> memref<400x64xf32, #tpu.memory_space<hbm>>
    %dma_wait3A_21 = arith.constant 0 : i32
    %dma_wait3A_22 = tpu.memref_slice %arg5[%add3A_19, %dma_wait3A_21] : memref<819200x64xf32, #tpu.memory_space<hbm>> -> memref<400x64xf32, #tpu.memory_space<hbm>>
    tpu.wait_dma2 semaphore(%arg13 : memref<!tpu.dma_semaphore, #tpu.memory_space<semaphore_mem>>) src(%arg9 : memref<400x64xf32, #tpu.memory_space<vmem>>) dst(%dma_wait3A_22 : memref<400x64xf32, #tpu.memory_space<hbm>>)
    return
  }
}

module attributes {stable_mosaic.version = 14 : i64} {
  func.func @_pack_tables_body(%arg0: i32, %arg1: memref<4000x64xf32, #tpu.memory_space<vmem>>, %arg2: memref<4000x64xf32, #tpu.memory_space<vmem>>, %arg3: memref<2000x128xf32, #tpu.memory_space<vmem>>) attributes {dimension_semantics = [#tpu.dimension_semantics<arbitrary>], iteration_bounds = array<i64: 50>, scalar_prefetch = 0 : i64, scratch_operands = 0 : i64, tpu.core_type = #tpu.core_type<tc>, window_params = [{transform_indices = @transform_0, window_bounds = array<i64: 4000, 64>}, {transform_indices = @transform_1, window_bounds = array<i64: 4000, 64>}, {transform_indices = @transform_2, window_bounds = array<i64: 2000, 128>}]} {
    %lt3A = arith.constant 25 : i32
    %lt3A_0 = arith.cmpi slt, %arg0, %lt3A : i32
    %convert_element_type3A = arith.extui %lt3A_0 : i1 to i32
    %cond3A = arith.constant 0 : i32
    %cond3A_1 = arith.cmpi ne, %convert_element_type3A, %cond3A : i32
    scf.if %cond3A_1 {
      %get3A = arith.constant 0 : index
      %get3A_6 = arith.constant 0 : index
      %get3A_7 = vector.load %arg1[%get3A, %get3A_6] : memref<4000x64xf32, #tpu.memory_space<vmem>>, vector<4000x64xf32>
      %reshape3A = vector.shape_cast %get3A_7 : vector<4000x64xf32> to vector<2000x2x64xf32>
      %slice3A = vector.extract_strided_slice %reshape3A {offsets = [0, 0, 0], sizes = [2000, 1, 64], strides = [1, 1, 1]} : vector<2000x2x64xf32> to vector<2000x1x64xf32>
      %squeeze3A = vector.shape_cast %slice3A : vector<2000x1x64xf32> to vector<2000x64xf32>
      %slice3A_8 = vector.extract_strided_slice %reshape3A {offsets = [0, 1, 0], sizes = [2000, 1, 64], strides = [1, 1, 1]} : vector<2000x2x64xf32> to vector<2000x1x64xf32>
      %squeeze3A_9 = vector.shape_cast %slice3A_8 : vector<2000x1x64xf32> to vector<2000x64xf32>
      %concatenate3A = tpu.concatenate %squeeze3A, %squeeze3A_9 in 1 : vector<2000x64xf32>, vector<2000x64xf32> -> vector<2000x128xf32>
      %swap3A = arith.constant 0 : index
      %swap3A_10 = arith.constant 0 : index
      %swap3A_11 = vector.load %arg3[%swap3A, %swap3A_10] : memref<2000x128xf32, #tpu.memory_space<vmem>>, vector<2000x128xf32>
      tpu.vector_store %arg3[%swap3A, %swap3A_10], %concatenate3A {strides = array<i32>} : memref<2000x128xf32, #tpu.memory_space<vmem>>, vector<2000x128xf32>,
    } else {
    }
    %ge3A = arith.constant 25 : i32
    %ge3A_2 = arith.cmpi sge, %arg0, %ge3A : i32
    %convert_element_type3A_3 = arith.extui %ge3A_2 : i1 to i32
    %cond3A_4 = arith.constant 0 : i32
    %cond3A_5 = arith.cmpi ne, %convert_element_type3A_3, %cond3A_4 : i32
    scf.if %cond3A_5 {
      %get3A = arith.constant 0 : index
      %get3A_6 = arith.constant 0 : index
      %get3A_7 = vector.load %arg2[%get3A, %get3A_6] : memref<4000x64xf32, #tpu.memory_space<vmem>>, vector<4000x64xf32>
      %reshape3A = vector.shape_cast %get3A_7 : vector<4000x64xf32> to vector<2000x2x64xf32>
      %slice3A = vector.extract_strided_slice %reshape3A {offsets = [0, 0, 0], sizes = [2000, 1, 64], strides = [1, 1, 1]} : vector<2000x2x64xf32> to vector<2000x1x64xf32>
      %squeeze3A = vector.shape_cast %slice3A : vector<2000x1x64xf32> to vector<2000x64xf32>
      %slice3A_8 = vector.extract_strided_slice %reshape3A {offsets = [0, 1, 0], sizes = [2000, 1, 64], strides = [1, 1, 1]} : vector<2000x2x64xf32> to vector<2000x1x64xf32>
      %squeeze3A_9 = vector.shape_cast %slice3A_8 : vector<2000x1x64xf32> to vector<2000x64xf32>
      %concatenate3A = tpu.concatenate %squeeze3A, %squeeze3A_9 in 1 : vector<2000x64xf32>, vector<2000x64xf32> -> vector<2000x128xf32>
      %swap3A = arith.constant 0 : index
      %swap3A_10 = arith.constant 0 : index
      %swap3A_11 = vector.load %arg3[%swap3A, %swap3A_10] : memref<2000x128xf32, #tpu.memory_space<vmem>>, vector<2000x128xf32>
      tpu.vector_store %arg3[%swap3A, %swap3A_10], %concatenate3A {strides = array<i32>} : memref<2000x128xf32, #tpu.memory_space<vmem>>, vector<2000x128xf32>,
    } else {
    }
    return
  }
  func.func @transform_0(%arg0: i32) -> (i32, i32) {
    %min3A = arith.constant 24 : i32
    %min3A_0 = arith.minsi %arg0, %min3A : i32
    %c0_i32 = arith.constant 0 : i32
    %c0_i32_1 = arith.constant 0 : i32
    return %min3A_0, %c0_i32 : i32, i32
  }
  func.func @transform_1(%arg0: i32) -> (i32, i32) {
    %sub3A = arith.constant 25 : i32
    %sub3A_0 = arith.subi %arg0, %sub3A : i32
    %max3A = arith.constant 0 : i32
    %max3A_1 = arith.maxsi %sub3A_0, %max3A : i32
    %c0_i32 = arith.constant 0 : i32
    %c0_i32_2 = arith.constant 0 : i32
    return %max3A_1, %c0_i32 : i32, i32
  }
  func.func @transform_2(%arg0: i32) -> (i32, i32) {
    %c0_i32 = arith.constant 0 : i32
    %c0_i32_0 = arith.constant 0 : i32
    return %arg0, %c0_i32 : i32, i32
  }
}

module attributes {stable_mosaic.version = 14 : i64} {
  func.func @_tc_body(%arg0: i32, %arg1: memref<12800x128xf32, #tpu.memory_space<vmem>>, %arg2: memref<12800x1xf32, #tpu.memory_space<vmem>>, %arg3: memref<12800x128xf32, #tpu.memory_space<vmem>>) attributes {dimension_semantics = [#tpu.dimension_semantics<arbitrary>], iteration_bounds = array<i64: 32>, scalar_prefetch = 0 : i64, scratch_operands = 0 : i64, tpu.core_type = #tpu.core_type<tc>, window_params = [{transform_indices = @transform_0, window_bounds = array<i64: 12800, 128>}, {pipeline_mode = #tpu.pipeline_mode<synchronous>, transform_indices = @transform_1, window_bounds = array<i64: 12800, 1>}, {transform_indices = @transform_2, window_bounds = array<i64: 12800, 128>}]} {
    %get3A = arith.constant 0 : index
    %get3A_0 = arith.constant 0 : index
    %get3A_1 = vector.load %arg1[%get3A, %get3A_0] : memref<12800x128xf32, #tpu.memory_space<vmem>>, vector<12800x128xf32>
    %reshape3A = vector.shape_cast %get3A_1 : vector<12800x128xf32> to vector<128x100x128xf32>
    %iota3A = tpu.iota {dimensions = array<i32: 0>} : vector<128x128xi32>
    %iota3A_2 = tpu.iota {dimensions = array<i32: 1>} : vector<128x128xi32>
    %eq3A = arith.cmpi eq, %iota3A, %iota3A_2 : vector<128x128xi32>
    %convert_element_type3A = arith.extui %eq3A : vector<128x128xi1> to vector<128x128xi32>
    %convert_element_type3A_3 = arith.sitofp %convert_element_type3A : vector<128x128xi32> to vector<128x128xf32>
    %dot_general3A = arith.constant dense<0.000000e+00> : vector<100x128x128xf32>
    %dot_general3A_4 = tpu.matmul %reshape3A, %convert_element_type3A_3, %dot_general3A {dimension_numbers = #tpu.dot_dimension_numbers<[0], [0], [1, 2], [1], [0, 1, 0, 2, 1, 1], [], []>, transpose_lhs_hint = false} : vector<128x100x128xf32>, vector<128x128xf32>, vector<100x128x128xf32> -> vector<100x128x128xf32>
    %reshape3A_5 = vector.shape_cast %dot_general3A_4 : vector<100x128x128xf32> to vector<12800x128xf32>
    %get3A_6 = arith.constant 0 : index
    %get3A_7 = arith.constant 0 : index
    %get3A_8 = vector.load %arg2[%get3A_6, %get3A_7] : memref<12800x1xf32, #tpu.memory_space<vmem>>, vector<12800x1xf32>
    %add3A = vector.broadcast %get3A_8 : vector<12800x1xf32> to vector<12800x128xf32>
    %add3A_9 = arith.addf %reshape3A_5, %add3A : vector<12800x128xf32>
    %swap3A = arith.constant 0 : index
    %swap3A_10 = arith.constant 0 : index
    %swap3A_11 = vector.load %arg3[%swap3A, %swap3A_10] : memref<12800x128xf32, #tpu.memory_space<vmem>>, vector<12800x128xf32>
    tpu.vector_store %arg3[%swap3A, %swap3A_10], %add3A_9 {strides = array<i32>} : memref<12800x128xf32, #tpu.memory_space<vmem>>, vector<12800x128xf32>,
    return
  }
  func.func @transform_0(%arg0: i32) -> (i32, i32) {
    %c0_i32 = arith.constant 0 : i32
    %c0_i32_0 = arith.constant 0 : i32
    return %arg0, %c0_i32 : i32, i32
  }
  func.func @transform_1(%arg0: i32) -> (i32, i32) {
    %c0_i32 = arith.constant 0 : i32
    %c0_i32_0 = arith.constant 0 : i32
    %c0_i32_1 = arith.constant 0 : i32
    return %c0_i32, %c0_i32_0 : i32, i32
  }
  func.func @transform_2(%arg0: i32) -> (i32, i32) {
    %c0_i32 = arith.constant 0 : i32
    %c0_i32_0 = arith.constant 0 : i32
    return %c0_i32, %arg0 : i32, i32
  }
}

</mosaic_0001>

<sc_bundles>
// kernel: kernel.5.cloned.1.call-start
scs
__scs_entry_jumppad:
0x0: {  	(pc) =	sbr.rel $0x88, $3  }
0x1: {  	(tag) =	ssettag $0x0;
	lr =	simm.s32 $0x1  }
0x2: {  	[smem:$0x3F9D] =	sst lr;
	_ =	strace $0xD0000000  }
0x3: {  	_ = 	snop  }
0x4: {  	_ = 	snop  }
0x5: {  	_ = 	snop  }
0x6: {  	_ = 	snop  }
0x7: {  	_ = 	snop  }
__scs_overlays_trampoline_lowered:
0x8: {  	[smem:$0x3FAC] =	sst s0  }
0x9: {  	[smem:$0x3FAD] =	sst s1  }
0xa: {  	[smem:$0x3FAE] =	sst s2  }
0xb: {  	[smem:$0x3FAF] =	sst s3  }
0xc: {  	[smem:$0x3FB0] =	sst s4  }
0xd: {  	[smem:$0x3FB1] =	sst s5  }
0xe: {  	[smem:$0x3FB2] =	sst s6  }
0xf: {  	[smem:$0x3FB3] =	sst s7  }
0x10: {  	[smem:$0x3FB4] =	sst s8  }
0x11: {  	[smem:$0x3FB5] =	sst s9;
	s0 =	simm.s32 @!p0 $0x0  }
0x12: {  	s1 =	sld [smem:$0x3F9B];
	s0 =	simm.s32 @p0 $0x1  }
0x13: {  	[smem:$0x3FB6] =	sst s0;
	s0 =	simm.s32 @!p1 $0x0  }
0x14: {  	s2 =	sld [smem:$0x3F9A];
	s0 =	simm.s32 @p1 $0x1  }
0x15: {  	[smem:$0x3FB7] =	sst s0;
	s0 =	simm.s32 @!p2 $0x0  }
0x16: {  	s3 =	sld [smem:$0x3FDB];
	s0 =	simm.s32 @p2 $0x1  }
0x17: {  	s4 =	simm.s32 $0x1BF5;
	[smem:$0x3FB9] =	sst s0  }
0x18: {  	s0 =	sld [smem:$0x3F9C];
	_ =	swait.ge [sflag:s4], $0x0  }
0x19: {  	s7 =	sld [smem:$0x3F9D]  }
0x1a: {  	s8 =	sadd.s32 $0xFFFFE003, lr  }
0x1b: {  	s9 =	sadd.s32 $0xFFFFFEF7, lr;
	s5 =	simm.s32 $0xFFFFFFFF;
	p2 =	slt.u32 s8, $0xFFFFF086  }
0x1c: {  	p1 =	slt.u32 s9, $0xF7A;
	s5 =	simm.s32 @!p2 $0x0  }
0x1d: {  	s5 =	simm.s32 @p1 $0x1;
	p0 =	seq.s32 s7, s2  }
0x1e: {  	s7 =	smul.u32 @!p0 $0xF7A, s2;
	p2 =	seq.s32 @!p0 s5, $0x0  }
0x1f: {  	s9 =	smul.u32 $0xF7A, s1;
	s8 =	simm.s32 @!p0 $0x1BF5;
	p2 =	por !p2, p0  }
0x20: {  	[sflag:s8] =	ssyncset.s32 @!p0 $0xFFFFF086;
	s6 =	sadd.s32 @!p0 s3, s7;
	s7 =	simm.s32 @!p0 $0x108  }
0x21: {  	s3 =	sadd.s32 s3, s9;
	s6 =	sadd.s32 @!p0 $0x88, s6;
	s7 =	simm.s32 @p2 $0x1082  }
0x22: {  	[simem:s7], [sflag:s8] =	dma.local @!p0 [hbm:s6], $0xF7A  }
0x23: {  	s9 =	sor.u32 $0xD0000000, s2;
	s6 =	simm.s32 $0x108;
	_ =	swait.ge @!p0 [sflag:s8], $0x0  }
0x24: {  	s3 =	sadd.s32 $0x88, s3;
	s6 =	simm.s32 @!p1 $0x1082;
	[sflag:s4] =	ssyncset.s32 $0xFFFFF086  }
0x25: {  	[simem:s6], [sflag:s4] =	dma.local [hbm:s3], $0xF7A  }
0x26: {  	[smem:$0x3F9D] =	sst s1;
	(tag) =	ssettag s2;
	_ =	strace s9  }
0x27: {  	s1 =	sld [smem:$0x3FAD]  }
0x28: {  	s2 =	sld [smem:$0x3FAE]  }
0x29: {  	s4 =	sld [smem:$0x3FB0]  }
0x2a: {  	p0 =	seq.s32 s5, $0x0;
	s5 =	sld [smem:$0x3FB1]  }
0x2b: {  	s6 =	sld [smem:$0x3FB2]  }
0x2c: {  	s7 =	sld [smem:$0x3FB3]  }
0x2d: {  	s3 =	simm.s32 $0x108;
	s8 =	sld [smem:$0x3FB4]  }
0x2e: {  	s3 =	simm.s32 @!p0 $0x1082;
	s9 =	sld [smem:$0x3FB5]  }
0x2f: {  	lr =	sadd.s32 s0, s3;
	s0 =	sld [smem:$0x3FAC]  }
0x30: {  	s3 =	sld [smem:$0x3FAF]  }
0x31: {  	[smem:$0x3FB8] =	sst s10  }
0x32: {  	s10 =	sld [smem:$0x3FB6];
	_ =	sdelay $0x3  }
0x33: {  	p0 =	seq.s32 s10, $0x1;
	s10 =	sld [smem:$0x3FB8];
	_ =	sdelay $0x3  }
0x34: {  	[smem:$0x3FB8] =	sst s10  }
0x35: {  	s10 =	sld [smem:$0x3FB7];
	_ =	sdelay $0x3  }
0x36: {  	p1 =	seq.s32 s10, $0x1;
	s10 =	sld [smem:$0x3FB8];
	_ =	sdelay $0x3  }
0x37: {  	[smem:$0x3FB8] =	sst s10  }
0x38: {  	s10 =	sld [smem:$0x3FB9]  }
0x39: {  	_ = 	snop;
	(pc) =	sbr.ind lr, $3  }
0x3a: {  	_ = 	snop  }
0x3b: {  	_ = 	snop  }
0x3c: {  	p2 =	seq.s32 s10, $0x1;
	s10 =	sld [smem:$0x3FB8]  }
0x3d: {  	_ =	shalt  }
0x3e: {  	_ =	shalt  }
0x3f: {  	_ =	shalt  }
0x40: {  	_ =	shalt  }
0x41: {  	_ =	shalt  }
0x42: {  	_ =	shalt  }
0x43: {  	_ =	shalt  }
0x44: {  	_ =	shalt  }
0x45: {  	_ =	shalt  }
0x46: {  	_ =	shalt  }
0x47: {  	_ =	shalt  }
0x48: {  	_ =	shalt  }
0x49: {  	_ =	shalt  }
0x4a: {  	_ =	shalt  }
0x4b: {  	_ =	shalt  }
0x4c: {  	_ =	shalt  }
0x4d: {  	_ =	shalt  }
0x4e: {  	_ =	shalt  }
0x4f: {  	_ =	shalt  }
0x50: {  	_ =	shalt  }
0x51: {  	_ =	shalt  }
0x52: {  	_ =	shalt  }
0x53: {  	_ =	shalt  }
0x54: {  	_ =	shalt  }
0x55: {  	_ =	shalt  }
0x56: {  	_ =	shalt  }
0x57: {  	_ =	shalt  }
0x58: {  	_ =	shalt  }
0x59: {  	_ =	shalt  }
0x5a: {  	_ =	shalt  }
0x5b: {  	_ =	shalt  }
0x5c: {  	_ =	shalt  }
0x5d: {  	_ =	shalt  }
0x5e: {  	_ =	shalt  }
0x5f: {  	_ =	shalt  }
0x60: {  	_ =	shalt  }
0x61: {  	_ =	shalt  }
0x62: {  	_ =	shalt  }
0x63: {  	_ =	shalt  }
0x64: {  	_ =	shalt  }
0x65: {  	_ =	shalt  }
0x66: {  	_ =	shalt  }
0x67: {  	_ =	shalt  }
0x68: {  	_ =	shalt  }
0x69: {  	_ =	shalt  }
0x6a: {  	_ =	shalt  }
0x6b: {  	_ =	shalt  }
0x6c: {  	_ =	shalt  }
0x6d: {  	_ =	shalt  }
0x6e: {  	_ =	shalt  }
0x6f: {  	_ =	shalt  }
0x70: {  	_ =	shalt  }
0x71: {  	_ =	shalt  }
0x72: {  	_ =	shalt  }
0x73: {  	_ =	shalt  }
0x74: {  	_ =	shalt  }
0x75: {  	_ =	shalt  }
0x76: {  	_ =	shalt  }
0x77: {  	_ =	shalt  }
0x78: {  	_ =	shalt  }
0x79: {  	_ =	shalt  }
0x7a: {  	_ =	shalt  }
0x7b: {  	_ =	shalt  }
0x7c: {  	_ =	shalt  }
0x7d: {  	_ =	shalt  }
0x7e: {  	_ =	shalt  }
0x7f: {  	_ =	shalt  }
0x80: {  	_ =	shalt  }
0x81: {  	_ =	shalt  }
0x82: {  	_ =	shalt  }
0x83: {  	_ =	shalt  }
0x84: {  	_ =	shalt  }
0x85: {  	_ =	shalt  }
0x86: {  	_ =	shalt  }
0x87: {  	_ =	shalt  }
.Lfunc_end0:
.L_simem_size_0:
called_computation_lowered:
.L_overlay_start_0:
0x88: {  	s2 =	sld [smem:$0x3FD9]  }
0x89: {  	s3 =	sld [smem:$0x3FFE];
	_ =	sdelay $0x1  }
0x8a: {  	s1 =	srdreg.scid  }
0x8b: {  	s0 =	sand.u32 $0x1, s1  }
0x8c: {  	s16 =	sshll.u32 s0, $0xA;
	s2 =	sadd.s32 s3, s2  }
0x8d: {  	s2 =	sadd.s32 s2, s16  }
0x8e: {  	[smem:$0x3FC4] =	sst s2  }
0x8f: {  	_ = 	snop  }
0x90: {  	(tm) =	ssettm $0x1  }
0x91: {  	s17 =	sld [smem:$0x3FFB];
	_ =	sdelay $0x3  }
0x92: {  	_ =	strace s17  }
0x93: {  	s2 =	sld [smem:$0x3FFC];
	_ =	sdelay $0x3  }
0x94: {  	_ =	strace s2  }
0x95: {  	s2 =	sld [smem:$0x3FFD];
	_ =	sdelay $0x3  }
0x96: {  	_ =	strace s2  }
0x97: {  	_ =	strace $0x8FFFFFFF  }
0x98: {  	s18 =	sld [smem:$0x3FDB];
	_ =	sdelay $0x1  }
0x99: {  	s19 =	simm.s32 $_scs_section_size  }
0x9a: {  	s4 =	simm.s32 $_size__tile_overlayer_lowered;
	s5 =	simm.s32 $_tile_overlayer_lowered  }
0x9b: {  	s22 =	simm.s32 $0x1BFF;
	s21 =	sshll.u32 s5, $0x1;
	s2 =	sadd.s32 s19, s18  }
0x9c: {  	s6 =	simm.s32 $0x0;
	s20 =	sshll.u32 s4, $0x1;
	s4 =	sadd.s32 s21, s2  }
0x9d: {  	[timem:s6], [sflag:s22] =	dma.local [hbm:s4], s20  }
0x9e: {  	_ =	swait.ge [sflag:s22], s20  }
0x9f: {  	s3 =	ssub.s32 $0x0, s20;
	[sflag:s22] =	ssyncset.done $0x0  }
0xa0: {  	[sflag:s22] =	ssyncadd.s32 s3;
	_ =	sdelay $0x1  }
0xa1: {  	s23 =	simm.s32 $0x1B8B  }
0xa2: {  	_ =	swait.ge [sflag:s23], $0x1  }
0xa3: {  	[sflag:s23] =	ssyncset.done $0x0  }
0xa4: {  	s25 =	simm.s32 $0x1B8E;
	s24 =	sld [smem:$0x3FFE];
	[sflag:s23] =	ssyncadd.s32 $0xFFFFFFFF  }
0xa5: {  	s26 =	simm.s32 $execute0_lowered;
	[smem:$0x3FD2] =	sst s25  }
0xa6: {  	s4 =	sshll.u32 s26, $0x1;
	_ =	strace $0x80000046;
	[dreg:$0x1] =	wrdreg $0xFFFFFFFF  }
0xa7: {  	s28 =	simm.s32 $_size_execute0_lowered;
	s2 =	sadd.s32 s2, s4;
	[dreg:$0x0] =	wrdreg $0x0  }
0xa8: {  	s4 =	sshll.u32 s28, $0x1;
	[dreg:$0x2] =	wrdreg s2  }
0xa9: {  	[dreg:$0x3] =	wrdreg s4  }
0xaa: {  	[dreg:$0x4] =	wrdreg $0xC0  }
0xab: {  	_ =	task [dreg:s6], $0x5FFFF  }
0xac: {  	[dreg:$0x1] =	wrdreg $0xFFFFFFFF  }
0xad: {  	[dreg:$0x0] =	wrdreg $0x60  }
0xae: {  	[dreg:$0x2] =	wrdreg s24  }
0xaf: {  	[dreg:$0x3] =	wrdreg $0x9  }
0xb0: {  	_ =	task.clear_ibuf [dreg:s6], $0x4FFFF;
	_ =	strace $0x90000046  }
0xb1: {  	s29 =	simm.s32 $0x9;
	_ =	strace $0x80000048  }
0xb2: {  	_ =	swait.ge [sflag:s29], $0x1  }
0xb3: {  	[sflag:s29] =	ssyncadd.s32 $0xFFFFFFFF  }
0xb4: {  	_ =	strace $0x90000048  }
0xb5: {  	_ =	sfence  }
0xb6: {  	s30 =	sld [smem:$0x0];
	_ =	sdelay $0x2  }
0xb7: {  	s31 =	sshll.u32 s1, $0xD;
	s1 =	sshrl.u32 s1, $0x2  }
0xb8: {  	s3 =	sand.u32 $0x4000, s31;
	s1 =	sadd.s32 s1, s30  }
0xb9: {  	s0 =	sor.u32 s3, s0;
	s1 =	sshll.u32 s1, $0x11  }
0xba: {  	s0 =	sor.u32 s1, s0  }
0xbb: {  	s0 =	sadd.s32 $0x8F2B, s0  }
0xbc: {  	[sflag:s0] =	ssyncadd.remote.s32 $0x1  }
0xbd: {  	_ =	sfence.sel $0xFFFF  }
0xbe: {  	[dreg:$0x0] =	wrdreg $0xFFFFFFFF;
	(pc) =	sbr.abs _section_cstart, $3  }
0xbf: {  	[dreg:$0x1] =	wrdreg $0xFFFFFFFF  }
0xc0: {  	_ =	task.clear_ibuf [dreg:s6], $0x2FFFF;
	_ =	strace $0x9FFFFFFF  }
0xc1: {  	(tm) =	ssettm $0x7FFFFFFF  }
tec
execute0_lowered:
.L_overlay_start_1:
0x0: {  	(tag) =	ssettag $0x1  }
0x1: {  	s1 =	srdreg.scid  }
0x2: {  	s0 =	stileid.u32;
	s4 =	rddreg [dreg:$0x0];
	s2 =	simm.s32 $0x0  }
0x3: {  	s15 =	simm.s32 $0x190;
	s16 =	simm.s32 $0xC800;
	s17 =	simm.s32 $0x1  }
0x4: {  	s18 =	simm.s32 $0x12C00;
	s19 =	simm.s32 $0x2;
	s20 =	simm.s32 $0x3  }
0x5: {  	s21 =	simm.s32 $0x320;
	s22 =	simm.s32 $0x4;
	s23 =	simm.s32 $0x6270  }
0x6: {  	s24 =	simm.s32 $0x0;
	s8 =	sand.u32 $0x1, s1;
	s11 =	smul.u32 $0xC800, s0  }
0x7: {  	s28 =	sshll.u32 s0, $0x1;
	s1 =	rddreg [dreg:$0x1];
	s13 =	smul.u32 $0x64000, s0  }
0x8: {  	[smem:$0x7FF] =	sst s2;
	s3 =	sadd.s32 $0x1B9200, s4;
	s12 =	smul.u32 $0x6400, s8  }
0x9: {  	s10 =	sadd.s32 $0x33FC00, s4;
	s5 =	sor.u32 s8, s28;
	s14 =	smul.u32 $0x32000, s8  }
0xa: {  	_ =	strace $0x80000047;
	s7 =	ssub.s32 $0x2, s8;
	s6 =	smul.u32 $0x6400, s5  }
0xb: {  	s9 =	smul.u32 $0x32000, s5;
	s29 =	sshrl.u32 s7, $0x1;
	s31 =	sadd.s32 s13, s10  }
0xc: {  	s13 =	simm.s32 $0x5;
	s7 =	ssub.s32 s7, s29;
	s30 =	sadd.s32 s12, s11  }
0xd: {  	s11 =	sadd.s32 s14, s31;
	s14 =	simm.s32 $0x6400;
	s6 =	sshrl.u32 s6, $0x3  }
0xe: {  	s12 =	sshll.u32 s30, $0x3;
	s11 =	sadd.s32 $0x1900, s11;
	s6 =	sadd.s32 s6, s4  }
0xf: {  	s12 =	sadd.s32 s10, s12;
	s4 =	sadd.s32 $0x800, s6;
	s5 =	sadd.s32 $0x19800, s6  }
0x10: {  	s6 =	smax.u32 s7, $0x1;
	s7 =	sadd.s32 s10, s9;
	s12 =	sadd.s32 $0x2580, s12  }
0x11: {  	s8 =	sadd.s32 $0xC80, s7;
	s9 =	sadd.s32 $0x30700, s7;
	s10 =	sadd.s32 $0x31380, s7  }
.LBB2_1:
0x12: {  	[tilespmem:s2], [sflag:$0x5] =	stream.linear.gather [hbm4b:s4+s2], $0x6400, $0x38;
	[tilespmem:$0x19000] =	vst v63  }
0x13: {  	_ =	swait.ge [sflag:s13], $0x6400  }
0x14: {  	[sflag:s13] =	ssyncset.done $0x0  }
0x15: {  	[sflag:s13] =	ssyncadd.s32 $0xFFFF9C00  }
0x16: {  	[tilespmem:s14], [sflag:$0x5] =	stream.linear.gather [hbm4b:s5+s2], $0x6400, $0x38;
	[tilespmem:$0x19000] =	vst v63  }
0x17: {  	_ =	swait.ge [sflag:s13], $0x6400  }
0x18: {  	[sflag:s13] =	ssyncset.done $0x0  }
0x19: {  	s26 =	simm.s32 $0x6420;
	[sflag:s13] =	ssyncadd.s32 $0xFFFF9C00  }
0x1a: {  	v0 =	vld [tilespmem:s26+$0xFFFFFFE0]  }
0x1b: {  	s25 =	simm.s32 $0x20  }
0x1c: {  	v1 =	vld [tilespmem:s25+$0xFFFFFFE0];
	_ =	sdelay $0x2  }
0x1d: {  	v0 =	vmul.u32 $0x186A0, v0;
	_ =	sdelay $0x1  }
0x1e: {  	v0 =	vadd.s32 v1, v0  }
0x1f: {  	[tilespmem:s25+$0xFFFFFFE0] =	vst v0  }
0x20: {  	v0 =	vld [tilespmem:s26+$0xFFFFFFF0];
	_ =	sdelay $0x1  }
0x21: {  	v61 =	vld [tilespmem:s25+$0xFFFFFFF0];
	_ =	sdelay $0x2  }
0x22: {  	v0 =	vmul.u32 $0x186A0, v0;
	_ =	sdelay $0x1  }
0x23: {  	v0 =	vadd.s32 v61, v0  }
0x24: {  	[tilespmem:s25+$0xFFFFFFF0] =	vst v0  }
0x25: {  	v0 =	vld [tilespmem:s26+$0x0];
	_ =	sdelay $0x1  }
0x26: {  	v62 =	vld [tilespmem:s25+$0x0];
	_ =	sdelay $0x2  }
0x27: {  	v0 =	vmul.u32 $0x186A0, v0;
	_ =	sdelay $0x1  }
0x28: {  	v0 =	vadd.s32 v62, v0  }
0x29: {  	[tilespmem:s25+$0x0] =	vst v0  }
0x2a: {  	v0 =	vld [tilespmem:s26+$0x10];
	_ =	sdelay $0x1  }
0x2b: {  	v63 =	vld [tilespmem:s25+$0x10];
	_ =	sdelay $0x2  }
0x2c: {  	v0 =	vmul.u32 $0x186A0, v0;
	_ =	sdelay $0x1  }
0x2d: {  	v0 =	vadd.s32 v63, v0  }
0x2e: {  	s28 =	simm.s32 $0x6460;
	s26 =	simm.s32 $0x0;
	[tilespmem:s25+$0x10] =	vst v0  }
.LBB2_2:
0x2f: {  	v0 =	vld [tilespmem:s28+$0xFFFFFFE0];
	s26 =	sadd.s32 $0x4, s26  }
0x30: {  	s25 =	sadd.s32 $0x40, s25;
	p0 =	slt.u32 s26, $0x63C  }
0x31: {  	v1 =	vld [tilespmem:s25+$0xFFFFFFE0];
	_ =	sdelay $0x2  }
0x32: {  	v0 =	vmul.u32 $0x186A0, v0;
	_ =	sdelay $0x1  }
0x33: {  	v0 =	vadd.s32 v1, v0  }
0x34: {  	[tilespmem:s25+$0xFFFFFFE0] =	vst v0  }
0x35: {  	v0 =	vld [tilespmem:s28+$0xFFFFFFF0];
	_ =	sdelay $0x1  }
0x36: {  	v1 =	vld [tilespmem:s25+$0xFFFFFFF0];
	_ =	sdelay $0x2  }
0x37: {  	v0 =	vmul.u32 $0x186A0, v0;
	_ =	sdelay $0x1  }
0x38: {  	v0 =	vadd.s32 v1, v0  }
0x39: {  	[tilespmem:s25+$0xFFFFFFF0] =	vst v0  }
0x3a: {  	v0 =	vld [tilespmem:s28+$0x0];
	_ =	sdelay $0x1  }
0x3b: {  	v1 =	vld [tilespmem:s25+$0x0];
	_ =	sdelay $0x2  }
0x3c: {  	v0 =	vmul.u32 $0x186A0, v0;
	_ =	sdelay $0x1  }
0x3d: {  	v0 =	vadd.s32 v1, v0  }
0x3e: {  	[tilespmem:s25+$0x0] =	vst v0  }
0x3f: {  	v0 =	vld [tilespmem:s28+$0x10];
	_ =	sdelay $0x1  }
0x40: {  	v1 =	vld [tilespmem:s25+$0x10];
	_ =	sdelay $0x1  }
.Ltmp0:
0x41: {  	(pc) =	sbr.rel @p0 .LBB2_2-.Ltmp0, $3  }
0x42: {  	v0 =	vmul.u32 $0x186A0, v0;
	_ =	sdelay $0x1  }
0x43: {  	v0 =	vadd.s32 v1, v0  }
0x44: {  	s28 =	sadd.s32 $0x40, s28;
	[tilespmem:s25+$0x10] =	vst v0  }
0x45: {  	s25 =	simm.s32 $0x0  }
0x46: {  	[tilespmem:s16], [sflag:$0x1] =	stream.indirect.gather [hbm4b:s3+s15], $0x40, s25, s15, $0xb8;
	[tilespmem:$0x19000] =	vst v63  }
0x47: {  	_ =	swait.ge [sflag:s17], $0x6400  }
0x48: {  	[sflag:s17] =	ssyncset.done $0x0  }
0x49: {  	[sflag:s17] =	ssyncadd.s32 $0xFFFF9C00  }
0x4a: {  	[tilespmem:s18], [sflag:$0x2] =	stream.indirect.gather [hbm4b:s3+s15], $0x40, s15, s15, $0xb8;
	[tilespmem:$0x19000] =	vst v63  }
0x4b: {  	_ = 	snop  }
0x4c: {  	[hbm4b:s7+s25] =	stream.linear.scatter [tilespmem:s16], [sflag:$0x3], $0x6400, $0x38;
	[tilespmem:$0x19000] =	vst v63  }
0x4d: {  	_ =	swait.ge [sflag:s19], $0x6400  }
0x4e: {  	[sflag:s19] =	ssyncset.done $0x0  }
0x4f: {  	[sflag:s19] =	ssyncadd.s32 $0xFFFF9C00  }
0x50: {  	_ =	swait.ge [sflag:s20], $0x6400  }
0x51: {  	[sflag:s20] =	ssyncset.done $0x0  }
0x52: {  	[sflag:s20] =	ssyncadd.s32 $0xFFFF9C00  }
0x53: {  	[tilespmem:s16], [sflag:$0x1] =	stream.indirect.gather [hbm4b:s3+s15], $0x40, s21, s15, $0xb8;
	[tilespmem:$0x19000] =	vst v63  }
0x54: {  	_ = 	snop  }
0x55: {  	[hbm4b:s8+s25] =	stream.linear.scatter [tilespmem:s18], [sflag:$0x4], $0x6400, $0x38;
	[tilespmem:$0x19000] =	vst v63  }
0x56: {  	_ =	swait.ge [sflag:s17], $0x6400  }
0x57: {  	[sflag:s17] =	ssyncset.done $0x0  }
0x58: {  	[sflag:s17] =	ssyncadd.s32 $0xFFFF9C00  }
0x59: {  	_ =	swait.ge [sflag:s22], $0x6400  }
0x5a: {  	[sflag:s22] =	ssyncset.done $0x0  }
0x5b: {  	s29 =	simm.s32 $0x4B0;
	[sflag:s22] =	ssyncadd.s32 $0xFFFF9C00  }
0x5c: {  	[tilespmem:s18], [sflag:$0x2] =	stream.indirect.gather [hbm4b:s3+s15], $0x40, s29, s15, $0xb8;
	[tilespmem:$0x19000] =	vst v63  }
0x5d: {  	s30 =	sadd.s32 $0x0, s11  }
0x5e: {  	[hbm4b:s30+s2] =	stream.linear.scatter [tilespmem:s16], [sflag:$0x3], $0x6400, $0x38;
	[tilespmem:$0x19000] =	vst v63  }
0x5f: {  	_ =	swait.ge [sflag:s19], $0x6400  }
0x60: {  	[sflag:s19] =	ssyncset.done $0x0  }
0x61: {  	[sflag:s19] =	ssyncadd.s32 $0xFFFF9C00  }
0x62: {  	_ =	swait.ge [sflag:s20], $0x6400  }
0x63: {  	s31 =	simm.s32 $0x640;
	s28 =	sadd.s32 $0x0, s12;
	[sflag:s20] =	ssyncset.done $0x0  }
0x64: {  	s26 =	simm.s32 $0x960;
	s25 =	simm.s32 $0x1900;
	[sflag:s20] =	ssyncadd.s32 $0xFFFF9C00  }
0x65: {  	[tilespmem:s16], [sflag:$0x1] =	stream.indirect.gather [hbm4b:s3+s15], $0x40, s31, s15, $0xb8;
	[tilespmem:$0x19000] =	vst v63  }
.LBB2_4:
0x66: {  	[hbm4b:s28+s2] =	stream.linear.scatter [tilespmem:s18], [sflag:$0x4], $0x6400, $0x38;
	[tilespmem:$0x19000] =	vst v63  }
0x67: {  	s28 =	smov.u32 s25  }
0x68: {  	p0 =	sne.s32 s25, $0x2D500;
	s25 =	sadd.s32 $0x1900, s25;
	_ =	swait.ge [sflag:s17], $0x6400  }
0x69: {  	[sflag:s17] =	ssyncset.done $0x0  }
0x6a: {  	[sflag:s17] =	ssyncadd.s32 $0xFFFF9C00  }
0x6b: {  	_ =	swait.ge [sflag:s22], $0x6400  }
0x6c: {  	[sflag:s22] =	ssyncset.done $0x0  }
0x6d: {  	s29 =	sadd.s32 $0xFFFFFE70, s26;
	[sflag:s22] =	ssyncadd.s32 $0xFFFF9C00  }
0x6e: {  	[tilespmem:s18], [sflag:$0x2] =	stream.indirect.gather [hbm4b:s3+s15], $0x40, s29, s15, $0xb8;
	[tilespmem:$0x19000] =	vst v63  }
0x6f: {  	s29 =	sadd.s32 s28, s11  }
0x70: {  	[hbm4b:s29+s2] =	stream.linear.scatter [tilespmem:s16], [sflag:$0x3], $0x6400, $0x38;
	[tilespmem:$0x19000] =	vst v63  }
0x71: {  	_ =	swait.ge [sflag:s19], $0x6400  }
0x72: {  	[sflag:s19] =	ssyncset.done $0x0  }
0x73: {  	[sflag:s19] =	ssyncadd.s32 $0xFFFF9C00  }
.Ltmp1:
0x74: {  	_ =	swait.ge [sflag:s20], $0x6400;
	(pc) =	sbr.rel @p0 .LBB2_4-.Ltmp1, $4  }
0x75: {  	[sflag:s20] =	ssyncset.done $0x0  }
0x76: {  	[sflag:s20] =	ssyncadd.s32 $0xFFFF9C00  }
0x77: {  	[tilespmem:s16], [sflag:$0x1] =	stream.indirect.gather [hbm4b:s3+s15], $0x40, s26, s15, $0xb8;
	[tilespmem:$0x19000] =	vst v63  }
0x78: {  	s28 =	sadd.s32 s28, s12;
	s26 =	sadd.s32 $0x320, s26  }
0x79: {  	[hbm4b:s28+s2] =	stream.linear.scatter [tilespmem:s18], [sflag:$0x4], $0x6400, $0x38;
	[tilespmem:$0x19000] =	vst v63  }
0x7a: {  	_ =	swait.ge [sflag:s17], $0x6400  }
0x7b: {  	[sflag:s17] =	ssyncset.done $0x0  }
0x7c: {  	[sflag:s17] =	ssyncadd.s32 $0xFFFF9C00  }
0x7d: {  	_ =	swait.ge [sflag:s22], $0x6400  }
0x7e: {  	[sflag:s22] =	ssyncset.done $0x0  }
0x7f: {  	[sflag:s22] =	ssyncadd.s32 $0xFFFF9C00  }
0x80: {  	[tilespmem:s18], [sflag:$0x2] =	stream.indirect.gather [hbm4b:s3+s15], $0x40, s23, s15, $0xb8;
	[tilespmem:$0x19000] =	vst v63  }
0x81: {  	_ = 	snop  }
0x82: {  	[hbm4b:s9+s2] =	stream.linear.scatter [tilespmem:s16], [sflag:$0x3], $0x6400, $0x38;
	[tilespmem:$0x19000] =	vst v63  }
0x83: {  	_ =	swait.ge [sflag:s19], $0x6400  }
0x84: {  	[sflag:s19] =	ssyncset.done $0x0  }
0x85: {  	[sflag:s19] =	ssyncadd.s32 $0xFFFF9C00  }
0x86: {  	s24 =	sadd.s32 $0x1, s24;
	_ =	swait.ge [sflag:s20], $0x6400  }
0x87: {  	p0 =	sne.s32 s24, s6;
	[sflag:s20] =	ssyncset.done $0x0  }
.Ltmp2:
0x88: {  	[sflag:s20] =	ssyncadd.s32 $0xFFFF9C00;
	(pc) =	sbr.rel @p0 .LBB2_1-.Ltmp2, $4  }
0x89: {  	[hbm4b:s10+s2] =	stream.linear.scatter [tilespmem:s18], [sflag:$0x4], $0x6400, $0x38;
	[tilespmem:$0x19000] =	vst v63  }
0x8a: {  	_ =	swait.ge [sflag:s22], $0x6400  }
0x8b: {  	[sflag:s22] =	ssyncset.done $0x0  }
0x8c: {  	[sflag:s22] =	ssyncadd.s32 $0xFFFF9C00  }
0x8d: {  	_ =	sfence.sel $0x180000  }
0x8e: {  	[bflag:$0x0] =	sbarrier.arrive $0xFFFF  }
0x8f: {  	p0 =	sne.s32 s0, $0x0;
	_ =	strace $0x90000047  }
0x90: {  	s0 =	sadd.s32 @!p0 $0x100000, s1;
	[bflag:$0x2] =	sbarrier.arrive $0xFFFF  }
0x91: {  	[sflag:s0] =	ssyncadd.tile.s32 @!p0 $0x1;
	_ =	shalt  }
.Lfunc_end2:
_tile_overlayer_lowered:
.L_overlay_start_2:
0x92: {  	(tag) =	ssettag $0x2  }
0x93: {  	s0 =	rddreg [dreg:$0x0];
	s2 =	stileid.u32  }
0x94: {  	s1 =	rddreg [dreg:$0x1];
	p0 =	sne.s32 s2, $0x0  }
0x95: {  	s3 =	rddreg [dreg:$0x2];
	[bflag:$0x3] =	sbarrier.arrive $0xFFFF;
	s2 =	simm.s32 @!p0 $0x1C05  }
0x96: {  	[timem:s3], [sflag:s2] =	dma.local @!p0 [hbm:s0], s1  }
0x97: {  	s0 =	simm.s32 @!p0 $0x5  }
0x98: {  	_ =	swait.ge @!p0 [sflag:s0], s1  }
0x99: {  	s1 =	ssub.s32 @!p0 $0x0, s1;
	[sflag:s0] =	ssyncset.done @!p0 $0x0  }
0x9a: {  	[sflag:s0] =	ssyncadd.s32 @!p0 s1  }
0x9b: {  	[bflag:$0x3] =	sbarrier.arrive $0xFFFF  }
0x9c: {  	_ =	shalt  }

</sc_bundles>
